<compile_context>
chip_gen: v7x
topology: tpu7x:2x2x1
jax: 0.10.2.dev20260603
libtpu: 0.0.44.dev20260713+nightly
codegen_flags: <defaults>
</compile_context>

<pallas_src>
import functools

import jax
import jax.numpy as jnp
from jax import lax
from jax.experimental import pallas as pl
from jax.experimental.pallas import tpu as pltpu
from jax.experimental.pallas import tpu_sc as plsc


def _vq_body(z_ref, emb_m2_ref, enorm_ref, emb_b16_ref, embsum_m2_ref,
             enorm_total_ref, zq_ref, idx_ref, mdist_ref, dsum_ref):
    b = pl.program_id(0)
    nb = pl.num_programs(0)
    nsl = z_ref.shape[0]
    K, C = emb_m2_ref.shape
    HW = z_ref.shape[2]

    bsum = jnp.float32(0.0)
    for sl in range(nsl):
        zb = z_ref[sl]
        d0 = jax.lax.dot_general(emb_m2_ref[...], zb, (((1,), (0,)), ((), ())),
                                 preferred_element_type=jnp.float32)
        znorm = jnp.sum(zb * zb, axis=0, keepdims=True)
        dist = (znorm + d0) + enorm_ref[...]

        idx = jnp.argmin(dist, axis=0)
        idx_ref[sl, 0, :] = idx

        onehot = (jax.lax.broadcasted_iota(jnp.int32, (K, HW), 0)
                  == idx[None, :]).astype(jnp.bfloat16)
        zq = jax.lax.dot_general(emb_b16_ref[...], onehot,
                                 (((0,), (0,)), ((), ())),
                                 preferred_element_type=jnp.float32)
        zq_ref[sl] = zq

        ssum = jax.lax.dot_general(embsum_m2_ref[...], zb,
                                   (((1,), (0,)), ((), ())),
                                   preferred_element_type=jnp.float32)
        bsum = bsum + (jnp.float32(K) * jnp.sum(znorm) + jnp.sum(ssum))

    @pl.when(b == 0)
    def _init():
        dsum_ref[0, 0] = bsum

    @pl.when(b != 0)
    def _acc():
        dsum_ref[0, 0] = dsum_ref[0, 0] + bsum

    @pl.when(b == nb - 1)
    def _finalize():
        n_total = jnp.float32(nb * nsl * HW)
        mdist_ref[0, 0] = ((dsum_ref[0, 0] + n_total * enorm_total_ref[0, 0])
                           / (n_total * jnp.float32(K)))


def _sc_histogram(idx_flat, K):
    B = idx_flat.shape[0]
    NC, NS = 2, 16
    NW = NC * NS
    bpw = B // NW
    mesh = plsc.VectorSubcoreMesh(core_axis_name="c", subcore_axis_name="s")

    @functools.partial(
        pl.kernel, mesh=mesh,
        out_type=jax.ShapeDtypeStruct((NC, K), jnp.float32),
        scratch_types=[
            pltpu.VMEM((bpw,), jnp.int32),
            pltpu.VMEM((bpw,), jnp.float32),
            pltpu.VMEM((K,), jnp.float32),
            pltpu.VMEM_SHARED((K,), jnp.float32),
        ],
    )
    def hist_kernel(idx_hbm, out_hbm, idx_v, ones_v, tmp_v, hist_sh):
        c = lax.axis_index("c")
        s = lax.axis_index("s")
        wid = s * NC + c
        base = wid * bpw

        def fill_ones(i, carry):
            ones_v[pl.ds(i * 16, 16)] = jnp.full((16,), 1.0, jnp.float32)
            return carry
        lax.fori_loop(0, bpw // 16, fill_ones, 0)

        @pl.when(s == 0)
        def _zero():
            def fill_zero(i, carry):
                tmp_v[pl.ds(i * 16, 16)] = jnp.zeros((16,), jnp.float32)
                return carry
            lax.fori_loop(0, K // 16, fill_zero, 0)
            pltpu.sync_copy(tmp_v, hist_sh)

        plsc.subcore_barrier()
        pltpu.sync_copy(idx_hbm.at[pl.ds(base, bpw)], idx_v)
        pltpu.sync_copy(ones_v, hist_sh.at[idx_v], add=True)
        plsc.subcore_barrier()

        @pl.when(s == 0)
        def _writeout():
            pltpu.sync_copy(hist_sh, tmp_v)
            pltpu.sync_copy(tmp_v, out_hbm.at[c])

    return hist_kernel(idx_flat)


def kernel(z, embedding):
    b, c, h, w = z.shape
    K = embedding.shape[0]
    hw = h * w
    z3 = z.reshape(b, c, hw)

    emb_m2 = -2.0 * embedding
    enorm = jnp.sum(embedding ** 2, axis=1, keepdims=True)
    emb_b16 = embedding.astype(jnp.bfloat16)
    embsum_m2 = jnp.sum(emb_m2, axis=0, keepdims=True)
    enorm_total = jnp.sum(enorm).reshape(1, 1)

    nsl = 2
    grid = (b // nsl,)
    zq3, idx3, mdist = pl.pallas_call(
        _vq_body,
        grid=grid,
        in_specs=[
            pl.BlockSpec((nsl, c, hw), lambda i: (i, 0, 0)),
            pl.BlockSpec((K, c), lambda i: (0, 0)),
            pl.BlockSpec((K, 1), lambda i: (0, 0)),
            pl.BlockSpec((K, c), lambda i: (0, 0)),
            pl.BlockSpec((1, c), lambda i: (0, 0)),
            pl.BlockSpec(memory_space=pltpu.SMEM),
        ],
        out_specs=[
            pl.BlockSpec((nsl, c, hw), lambda i: (i, 0, 0)),
            pl.BlockSpec((nsl, 1, hw), lambda i: (i, 0, 0)),
            pl.BlockSpec(memory_space=pltpu.SMEM),
        ],
        out_shape=[
            jax.ShapeDtypeStruct((b, c, hw), jnp.float32),
            jax.ShapeDtypeStruct((b, 1, hw), jnp.int32),
            jax.ShapeDtypeStruct((1, 1), jnp.float32),
        ],
        scratch_shapes=[
            pltpu.SMEM((1, 1), jnp.float32),
        ],
    )(z3, emb_m2, enorm, emb_b16, embsum_m2, enorm_total)

    counts2 = _sc_histogram(idx3.reshape(b * hw), K)
    counts = counts2[0] + counts2[1]
    e_mean = counts / jnp.float32(b * hw)
    perp = jnp.exp(-jnp.sum(e_mean * jnp.log(e_mean + 1e-10)))

    z_q = zq3.reshape(b, c, h, w)
    indices = idx3.reshape(b, h, w)
    loss = jnp.zeros((), z.dtype)
    return (z_q, loss, perp, indices, mdist.reshape(()))

# --- scband reference (transcript-rebuilt; emitter-appended) ---
"""Pipeline reference for scband-emaquantizer-3186865733643 (READ-ONLY COPY).

The authoritative reference and input builder live on the scoring server;
editing this copy changes nothing except your own understanding.
"""

import jax, jax.numpy as jnp
import numpy as np

CODEBOOK_SIZE = 1024
EMB_DIM = 256

def setup_inputs(seed: int = 0) -> dict:
    key = jax.random.key(seed)
    k1, k2 = jax.random.split(key)
    z = jax.random.normal(k1, (16, 256, 32, 32), dtype=jnp.float32)
    embedding = jax.random.normal(k2, (CODEBOOK_SIZE, EMB_DIM), dtype=jnp.float32)
    return {"z": z, "embedding": embedding}

def reference(z, embedding):
    # Faithful translation of EMAQuantizer.forward in eval mode
    # (EMA buffer updates are training-only, in-place side effects).
    b, c, h, w = z.shape
    codebook_size = embedding.shape[0]
    z_flattened = jnp.transpose(z, (0, 2, 3, 1)).reshape(-1, c)
    # squared L2 distance to every codebook entry
    dist = (jnp.sum(z_flattened ** 2, axis=1, keepdims=True)
            - 2.0 * z_flattened @ embedding.T
            + jnp.sum(embedding ** 2, axis=1, keepdims=True).T)
    min_encoding_indices = jnp.argmax(-dist, axis=1)
    min_encodings = jax.nn.one_hot(min_encoding_indices, codebook_size, dtype=z_flattened.dtype)
    z_q = min_encodings @ embedding
    z_q = z_q.reshape(b, h, w, c)
    z_q = jnp.transpose(z_q, (0, 3, 1, 2))
    # straight-through estimator
    z_q = z + jax.lax.stop_gradient(z_q - z)
    e_mean = jnp.mean(min_encodings, axis=0)
    perplexity = jnp.exp(-jnp.sum(e_mean * jnp.log(e_mean + 1e-10)))
    loss = jnp.array(0.0, dtype=z.dtype)
    mean_distance = jnp.mean(dist)
    return (z_q, loss, perplexity, min_encoding_indices.reshape(b, h, w), mean_distance)

if __name__ == "__main__":
    import jax
    _d = setup_inputs()
    print(jax.jit(kernel)(*tuple(_d.values())))

</pallas_src>

<mosaic_0001>
#map = affine_map<(d0, d1) -> (0)>
#map1 = affine_map<(d0, d1) -> (0, 0)>
module attributes {stable_mosaic.version = 14 : i64} {
  func.func @hist_kernel(%arg0: i32, %arg1: i32, %arg2: memref<16384xi32, #tpu.memory_space<hbm>>, %arg3: memref<2x1024xf32, #tpu.memory_space<hbm>>, %arg4: memref<512xi32, #tpu.memory_space<vmem>>, %arg5: memref<512xf32, #tpu.memory_space<vmem>>, %arg6: memref<1024xf32, #tpu.memory_space<vmem>>, %arg7: memref<1024xf32, #tpu.memory_space<vmem_shared>>) attributes {dimension_semantics = [#tpu.dimension_semantics<core_parallel>, #tpu.dimension_semantics<subcore_parallel>], iteration_bounds = array<i64: 2, 16>, scalar_prefetch = 0 : i64, scratch_operands = 4 : i64, tpu.core_type = #tpu.core_type<sc_vector_subcore>, window_params = [{transform_indices = #map}, {transform_indices = #map1}]} {
    %mul3A = arith.constant 2 : i32
    %mul3A_0 = arith.muli %arg1, %mul3A : i32
    %add3A = arith.addi %mul3A_0, %arg0 : i32
    %mul3A_1 = arith.constant 512 : i32
    %mul3A_2 = arith.muli %add3A, %mul3A_1 : i32
    %scan3A = arith.constant 0 : i32
    %scan3A_3 = arith.constant 0 : i32
    %scan3A_4 = arith.constant 32 : i32
    %scan3A_5 = arith.addi %scan3A_3, %scan3A_4 : i32
    %scan3A_6 = arith.constant 1 : i32
    scf.for %scan3A_16 = %scan3A_3 to %scan3A_5 step %scan3A_6  : i32 {
      %broadcast_in_dim3A = arith.constant 1.000000e+00 : f32
      %broadcast_in_dim3A_17 = vector.broadcast %broadcast_in_dim3A : f32 to vector<16xf32>
      %mul3A_18 = arith.constant 16 : i32
      %mul3A_19 = arith.muli %scan3A_16, %mul3A_18 : i32
      %swap3A = arith.index_cast %mul3A_19 : i32 to index
      %swap3A_20 = tpu.vector_load %arg5[%swap3A] {strides = array<i32>} : memref<512xf32, #tpu.memory_space<vmem>>, vector<16xf32>,
      %swap3A_21 = vector.shape_cast %swap3A_20 : vector<16xf32> to vector<16xf32>
      %swap3A_22 = vector.shape_cast %broadcast_in_dim3A_17 : vector<16xf32> to vector<16xf32>
      tpu.vector_store %arg5[%swap3A], %swap3A_22 {strides = array<i32>} : memref<512xf32, #tpu.memory_space<vmem>>, vector<16xf32>,
    }
    %scan3A_7 = arith.constant 32 : i32
    %eq3A = arith.constant 0 : i32
    %eq3A_8 = arith.cmpi eq, %arg1, %eq3A : i32
    %convert_element_type3A = arith.extui %eq3A_8 : i1 to i32
    %cond3A = arith.constant 0 : i32
    %cond3A_9 = arith.cmpi ne, %convert_element_type3A, %cond3A : i32
    scf.if %cond3A_9 {
      %scan3A_16 = arith.constant 0 : i32
      %scan3A_17 = arith.constant 0 : i32
      %scan3A_18 = arith.constant 64 : i32
      %scan3A_19 = arith.addi %scan3A_17, %scan3A_18 : i32
      %scan3A_20 = arith.constant 1 : i32
      scf.for %scan3A_22 = %scan3A_17 to %scan3A_19 step %scan3A_20  : i32 {
        %broadcast_in_dim3A = arith.constant 0.000000e+00 : f32
        %broadcast_in_dim3A_23 = vector.broadcast %broadcast_in_dim3A : f32 to vector<16xf32>
        %mul3A_24 = arith.constant 16 : i32
        %mul3A_25 = arith.muli %scan3A_22, %mul3A_24 : i32
        %swap3A = arith.index_cast %mul3A_25 : i32 to index
        %swap3A_26 = tpu.vector_load %arg6[%swap3A] {strides = array<i32>} : memref<1024xf32, #tpu.memory_space<vmem>>, vector<16xf32>,
        %swap3A_27 = vector.shape_cast %swap3A_26 : vector<16xf32> to vector<16xf32>
        %swap3A_28 = vector.shape_cast %broadcast_in_dim3A_23 : vector<16xf32> to vector<16xf32>
        tpu.vector_store %arg6[%swap3A], %swap3A_28 {strides = array<i32>} : memref<1024xf32, #tpu.memory_space<vmem>>, vector<16xf32>,
      }
      %scan3A_21 = arith.constant 64 : i32
      "tpu.region"() ({
        %run_scoped3A = tpu.sem_alloc : memref<!tpu.dma_semaphore, #tpu.memory_space<semaphore_mem>>
        tpu.enqueue_dma source(%arg6 : memref<1024xf32, #tpu.memory_space<vmem>>) target(%arg7 : memref<1024xf32, #tpu.memory_space<vmem_shared>>) target_semaphore(%run_scoped3A : memref<!tpu.dma_semaphore, #tpu.memory_space<semaphore_mem>>)
        tpu.wait_dma2 semaphore(%run_scoped3A : memref<!tpu.dma_semaphore, #tpu.memory_space<semaphore_mem>>) src(%arg6 : memref<1024xf32, #tpu.memory_space<vmem>>) dst(%arg7 : memref<1024xf32, #tpu.memory_space<vmem_shared>>)
        tpu.yield
      }) : () -> ()
    } else {
    }
    %barrier3A = arith.constant 0 : index
    tpu.barrier barrier_id(%barrier3A)
    "tpu.region"() ({
      %run_scoped3A = tpu.sem_alloc : memref<!tpu.dma_semaphore, #tpu.memory_space<semaphore_mem>>
      %dma_start3A = tpu.memref_slice %arg2[%mul3A_2] : memref<16384xi32, #tpu.memory_space<hbm>> -> memref<512xi32, #tpu.memory_space<hbm>>
      %dma_start3A_16 = tpu.memref_slice %arg2[%mul3A_2] : memref<16384xi32, #tpu.memory_space<hbm>> -> memref<512xi32, #tpu.memory_space<hbm>>
      tpu.enqueue_dma source(%dma_start3A_16 : memref<512xi32, #tpu.memory_space<hbm>>) target(%arg4 : memref<512xi32, #tpu.memory_space<vmem>>) target_semaphore(%run_scoped3A : memref<!tpu.dma_semaphore, #tpu.memory_space<semaphore_mem>>)
      %dma_wait3A = tpu.memref_slice %arg2[%mul3A_2] : memref<16384xi32, #tpu.memory_space<hbm>> -> memref<512xi32, #tpu.memory_space<hbm>>
      %dma_wait3A_17 = tpu.memref_slice %arg2[%mul3A_2] : memref<16384xi32, #tpu.memory_space<hbm>> -> memref<512xi32, #tpu.memory_space<hbm>>
      tpu.wait_dma2 semaphore(%run_scoped3A : memref<!tpu.dma_semaphore, #tpu.memory_space<semaphore_mem>>) src(%dma_wait3A_17 : memref<512xi32, #tpu.memory_space<hbm>>) dst(%arg4 : memref<512xi32, #tpu.memory_space<vmem>>)
      tpu.yield
    }) : () -> ()
    "tpu.region"() ({
      %run_scoped3A = tpu.sem_alloc : memref<!tpu.dma_semaphore, #tpu.memory_space<semaphore_mem>>
      %dma_start3A = arith.constant 0 : i32
      %dma_start3A_16 = tpu.memref_slice %arg7[%dma_start3A] : memref<1024xf32, #tpu.memory_space<vmem_shared>> -> memref<1024xf32, #tpu.memory_space<vmem_shared>>
      tpu.enqueue_indirect_dma source(%arg5 : memref<512xf32, #tpu.memory_space<vmem>>) target(%dma_start3A_16 : memref<1024xf32, #tpu.memory_space<vmem_shared>>) offsets(%arg4 : memref<512xi32, #tpu.memory_space<vmem>>) semaphore(%run_scoped3A : memref<!tpu.dma_semaphore, #tpu.memory_space<semaphore_mem>>) {add = true}
      %dma_wait3A = arith.constant 0 : i32
      %dma_wait3A_17 = tpu.memref_slice %arg7[%dma_wait3A] : memref<1024xf32, #tpu.memory_space<vmem_shared>> -> memref<1024xf32, #tpu.memory_space<vmem_shared>>
      tpu.wait_indirect_dma semaphore(%run_scoped3A : memref<!tpu.dma_semaphore, #tpu.memory_space<semaphore_mem>>) src(%arg5 : memref<512xf32, #tpu.memory_space<vmem>>) dst(%dma_wait3A_17 : memref<1024xf32, #tpu.memory_space<vmem_shared>>)
      tpu.yield
    }) : () -> ()
    %barrier3A_10 = arith.constant 0 : index
    tpu.barrier barrier_id(%barrier3A_10)
    %eq3A_11 = arith.constant 0 : i32
    %eq3A_12 = arith.cmpi eq, %arg1, %eq3A_11 : i32
    %convert_element_type3A_13 = arith.extui %eq3A_12 : i1 to i32
    %cond3A_14 = arith.constant 0 : i32
    %cond3A_15 = arith.cmpi ne, %convert_element_type3A_13, %cond3A_14 : i32
    scf.if %cond3A_15 {
      "tpu.region"() ({
        %run_scoped3A = tpu.sem_alloc : memref<!tpu.dma_semaphore, #tpu.memory_space<semaphore_mem>>
        tpu.enqueue_dma source(%arg7 : memref<1024xf32, #tpu.memory_space<vmem_shared>>) target(%arg6 : memref<1024xf32, #tpu.memory_space<vmem>>) target_semaphore(%run_scoped3A : memref<!tpu.dma_semaphore, #tpu.memory_space<semaphore_mem>>)
        tpu.wait_dma2 semaphore(%run_scoped3A : memref<!tpu.dma_semaphore, #tpu.memory_space<semaphore_mem>>) src(%arg7 : memref<1024xf32, #tpu.memory_space<vmem_shared>>) dst(%arg6 : memref<1024xf32, #tpu.memory_space<vmem>>)
        tpu.yield
      }) : () -> ()
      "tpu.region"() ({
        %run_scoped3A = tpu.sem_alloc : memref<!tpu.dma_semaphore, #tpu.memory_space<semaphore_mem>>
        %dma_start3A = arith.constant 0 : i32
        %dma_start3A_16 = tpu.memref_slice %arg3[%arg0, %dma_start3A] : memref<2x1024xf32, #tpu.memory_space<hbm>> -> memref<1x1024xf32, #tpu.memory_space<hbm>>
        %dma_start3A_17 = tpu.memref_squeeze %dma_start3A_16 : memref<1x1024xf32, #tpu.memory_space<hbm>> -> memref<1024xf32, #tpu.memory_space<hbm>>
        %dma_start3A_18 = arith.constant 0 : i32
        %dma_start3A_19 = tpu.memref_slice %arg3[%arg0, %dma_start3A_18] : memref<2x1024xf32, #tpu.memory_space<hbm>> -> memref<1x1024xf32, #tpu.memory_space<hbm>>
        %dma_start3A_20 = tpu.memref_squeeze %dma_start3A_19 : memref<1x1024xf32, #tpu.memory_space<hbm>> -> memref<1024xf32, #tpu.memory_space<hbm>>
        tpu.enqueue_dma source(%arg6 : memref<1024xf32, #tpu.memory_space<vmem>>) target(%dma_start3A_20 : memref<1024xf32, #tpu.memory_space<hbm>>) target_semaphore(%run_scoped3A : memref<!tpu.dma_semaphore, #tpu.memory_space<semaphore_mem>>)
        %dma_wait3A = arith.constant 0 : i32
        %dma_wait3A_21 = tpu.memref_slice %arg3[%arg0, %dma_wait3A] : memref<2x1024xf32, #tpu.memory_space<hbm>> -> memref<1x1024xf32, #tpu.memory_space<hbm>>
        %dma_wait3A_22 = tpu.memref_squeeze %dma_wait3A_21 : memref<1x1024xf32, #tpu.memory_space<hbm>> -> memref<1024xf32, #tpu.memory_space<hbm>>
        %dma_wait3A_23 = arith.constant 0 : i32
        %dma_wait3A_24 = tpu.memref_slice %arg3[%arg0, %dma_wait3A_23] : memref<2x1024xf32, #tpu.memory_space<hbm>> -> memref<1x1024xf32, #tpu.memory_space<hbm>>
        %dma_wait3A_25 = tpu.memref_squeeze %dma_wait3A_24 : memref<1x1024xf32, #tpu.memory_space<hbm>> -> memref<1024xf32, #tpu.memory_space<hbm>>
        tpu.wait_dma2 semaphore(%run_scoped3A : memref<!tpu.dma_semaphore, #tpu.memory_space<semaphore_mem>>) src(%arg6 : memref<1024xf32, #tpu.memory_space<vmem>>) dst(%dma_wait3A_25 : memref<1024xf32, #tpu.memory_space<hbm>>)
        tpu.yield
      }) : () -> ()
    } else {
    }
    return
  }
}

module attributes {stable_mosaic.version = 14 : i64} {
  func.func @_vq_body(%arg0: i32, %arg1: memref<2x256x1024xf32, #tpu.memory_space<vmem>>, %arg2: memref<1024x256xf32, #tpu.memory_space<vmem>>, %arg3: memref<1024x1xf32, #tpu.memory_space<vmem>>, %arg4: memref<1024x256xbf16, #tpu.memory_space<vmem>>, %arg5: memref<1x256xf32, #tpu.memory_space<vmem>>, %arg6: memref<1x1xf32, #tpu.memory_space<smem>>, %arg7: memref<2x256x1024xf32, #tpu.memory_space<vmem>>, %arg8: memref<2x1x1024xi32, #tpu.memory_space<vmem>>, %arg9: memref<1x1xf32, #tpu.memory_space<smem>>, %arg10: memref<1x1xf32, #tpu.memory_space<smem>>) attributes {dimension_semantics = [#tpu.dimension_semantics<arbitrary>], iteration_bounds = array<i64: 8>, scalar_prefetch = 0 : i64, scratch_operands = 1 : i64, tpu.core_type = #tpu.core_type<tc>, window_params = [{transform_indices = @transform_0, window_bounds = array<i64: 2, 256, 1024>}, {pipeline_mode = #tpu.pipeline_mode<synchronous>, transform_indices = @transform_1, window_bounds = array<i64: 1024, 256>}, {pipeline_mode = #tpu.pipeline_mode<synchronous>, transform_indices = @transform_2, window_bounds = array<i64: 1024, 1>}, {pipeline_mode = #tpu.pipeline_mode<synchronous>, transform_indices = @transform_3, window_bounds = array<i64: 1024, 256>}, {pipeline_mode = #tpu.pipeline_mode<synchronous>, transform_indices = @transform_4, window_bounds = array<i64: 1, 256>}, {transform_indices = @transform_5, window_bounds = array<i64: 1, 1>}, {transform_indices = @transform_6, window_bounds = array<i64: 2, 256, 1024>}, {transform_indices = @transform_7, window_bounds = array<i64: 2, 1, 1024>}, {transform_indices = @transform_8, window_bounds = array<i64: 1, 1>}]} {
    %get3A = arith.constant 0 : index
    %get3A_0 = arith.constant 0 : index
    %get3A_1 = arith.constant 0 : index
    %get3A_2 = vector.load %arg1[%get3A, %get3A_0, %get3A_1] : memref<2x256x1024xf32, #tpu.memory_space<vmem>>, vector<1x256x1024xf32>
    %get3A_3 = vector.shape_cast %get3A_2 : vector<1x256x1024xf32> to vector<256x1024xf32>
    %get3A_4 = arith.constant 0 : index
    %get3A_5 = arith.constant 0 : index
    %get3A_6 = vector.load %arg2[%get3A_4, %get3A_5] : memref<1024x256xf32, #tpu.memory_space<vmem>>, vector<1024x256xf32>
    %dot_general3A = arith.constant dense<0.000000e+00> : vector<1024x1024xf32>
    %dot_general3A_7 = tpu.matmul %get3A_6, %get3A_3, %dot_general3A {dimension_numbers = #tpu.dot_dimension_numbers<[1], [0], [0], [1], [0, 0, 1, 1], [], []>, transpose_lhs_hint = false} : vector<1024x256xf32>, vector<256x1024xf32>, vector<1024x1024xf32> -> vector<1024x1024xf32>
    %mul3A = arith.mulf %get3A_3, %get3A_3 : vector<256x1024xf32>
    %reduce_sum3A = arith.constant dense<0.000000e+00> : vector<1024xf32>
    %reduce_sum3A_8 = vector.multi_reduction <add>, %mul3A, %reduce_sum3A [0] : vector<256x1024xf32> to vector<1024xf32>
    %broadcast_in_dim3A = vector.shape_cast %reduce_sum3A_8 : vector<1024xf32> to vector<1x1024xf32>
    %add3A = vector.broadcast %broadcast_in_dim3A : vector<1x1024xf32> to vector<1024x1024xf32>
    %add3A_9 = arith.addf %add3A, %dot_general3A_7 : vector<1024x1024xf32>
    %get3A_10 = arith.constant 0 : index
    %get3A_11 = arith.constant 0 : index
    %get3A_12 = vector.load %arg3[%get3A_10, %get3A_11] : memref<1024x1xf32, #tpu.memory_space<vmem>>, vector<1024x1xf32>
    %add3A_13 = vector.broadcast %get3A_12 : vector<1024x1xf32> to vector<1024x1024xf32>
    %add3A_14 = arith.addf %add3A_9, %add3A_13 : vector<1024x1024xf32>
    %argmin3A = tpu.reduce_index %add3A_14 {axis = 0 : i32, kind = #tpu.reduction_kind<arg_min>} : vector<1024x1024xf32> -> vector<1024xi32>
    %swap3A = arith.constant 0 : index
    %swap3A_15 = arith.constant 0 : index
    %swap3A_16 = arith.constant 0 : index
    %swap3A_17 = vector.load %arg8[%swap3A, %swap3A_15, %swap3A_16] : memref<2x1x1024xi32, #tpu.memory_space<vmem>>, vector<1x1x1024xi32>
    %swap3A_18 = vector.shape_cast %swap3A_17 : vector<1x1x1024xi32> to vector<1024xi32>
    %swap3A_19 = vector.shape_cast %argmin3A : vector<1024xi32> to vector<1x1x1024xi32>
    tpu.vector_store %arg8[%swap3A, %swap3A_15, %swap3A_16], %swap3A_19 {strides = array<i32>} : memref<2x1x1024xi32, #tpu.memory_space<vmem>>, vector<1x1x1024xi32>,
    %iota3A = tpu.iota {dimensions = array<i32: 0>} : vector<1024x1024xi32>
    %broadcast_in_dim3A_20 = vector.shape_cast %argmin3A : vector<1024xi32> to vector<1x1024xi32>
    %eq3A = vector.broadcast %broadcast_in_dim3A_20 : vector<1x1024xi32> to vector<1024x1024xi32>
    %eq3A_21 = arith.cmpi eq, %iota3A, %eq3A : vector<1024x1024xi32>
    %convert_element_type3A = arith.extui %eq3A_21 : vector<1024x1024xi1> to vector<1024x1024xi32>
    %convert_element_type3A_22 = arith.sitofp %convert_element_type3A : vector<1024x1024xi32> to vector<1024x1024xf32>
    %convert_element_type3A_23 = arith.truncf %convert_element_type3A_22 : vector<1024x1024xf32> to vector<1024x1024xbf16>
    %get3A_24 = arith.constant 0 : index
    %get3A_25 = arith.constant 0 : index
    %get3A_26 = vector.load %arg4[%get3A_24, %get3A_25] : memref<1024x256xbf16, #tpu.memory_space<vmem>>, vector<1024x256xbf16>
    %dot_general3A_27 = arith.constant dense<0.000000e+00> : vector<256x1024xf32>
    %dot_general3A_28 = tpu.matmul %get3A_26, %convert_element_type3A_23, %dot_general3A_27 {dimension_numbers = #tpu.dot_dimension_numbers<[0], [0], [1], [1], [0, 1, 1, 1], [], []>, transpose_lhs_hint = false} : vector<1024x256xbf16>, vector<1024x1024xbf16>, vector<256x1024xf32> -> vector<256x1024xf32>
    %swap3A_29 = arith.constant 0 : index
    %swap3A_30 = arith.constant 0 : index
    %swap3A_31 = arith.constant 0 : index
    %swap3A_32 = vector.load %arg7[%swap3A_29, %swap3A_30, %swap3A_31] : memref<2x256x1024xf32, #tpu.memory_space<vmem>>, vector<1x256x1024xf32>
    %swap3A_33 = vector.shape_cast %swap3A_32 : vector<1x256x1024xf32> to vector<256x1024xf32>
    %swap3A_34 = vector.shape_cast %dot_general3A_28 : vector<256x1024xf32> to vector<1x256x1024xf32>
    tpu.vector_store %arg7[%swap3A_29, %swap3A_30, %swap3A_31], %swap3A_34 {strides = array<i32>} : memref<2x256x1024xf32, #tpu.memory_space<vmem>>, vector<1x256x1024xf32>,
    %get3A_35 = arith.constant 0 : index
    %get3A_36 = arith.constant 0 : index
    %get3A_37 = vector.load %arg5[%get3A_35, %get3A_36] : memref<1x256xf32, #tpu.memory_space<vmem>>, vector<1x256xf32>
    %dot_general3A_38 = arith.constant dense<0.000000e+00> : vector<1x1024xf32>
    %dot_general3A_39 = tpu.matmul %get3A_37, %get3A_3, %dot_general3A_38 {dimension_numbers = #tpu.dot_dimension_numbers<[1], [0], [0], [1], [0, 0, 1, 1], [], []>, transpose_lhs_hint = false} : vector<1x256xf32>, vector<256x1024xf32>, vector<1x1024xf32> -> vector<1x1024xf32>
    %reduce_sum3A_40 = vector.shape_cast %broadcast_in_dim3A : vector<1x1024xf32> to vector<1x1x1024xf32>
    %reduce_sum3A_41 = arith.constant dense<0.000000e+00> : vector<1xf32>
    %reduce_sum3A_42 = vector.multi_reduction <add>, %reduce_sum3A_40, %reduce_sum3A_41 [1, 2] : vector<1x1x1024xf32> to vector<1xf32>
    %reduce_sum3A_43 = vector.shape_cast %reduce_sum3A_42 : vector<1xf32> to vector<1x1x1xf32>
    %reduce_sum3A_44 = vector.extract %reduce_sum3A_43[0, 0, 0] : f32 from vector<1x1x1xf32>
    %mul3A_45 = arith.constant 1.024000e+03 : f32
    %mul3A_46 = arith.mulf %mul3A_45, %reduce_sum3A_44 : f32
    %reduce_sum3A_47 = vector.shape_cast %dot_general3A_39 : vector<1x1024xf32> to vector<1x1x1024xf32>
    %reduce_sum3A_48 = arith.constant dense<0.000000e+00> : vector<1xf32>
    %reduce_sum3A_49 = vector.multi_reduction <add>, %reduce_sum3A_47, %reduce_sum3A_48 [1, 2] : vector<1x1x1024xf32> to vector<1xf32>
    %reduce_sum3A_50 = vector.shape_cast %reduce_sum3A_49 : vector<1xf32> to vector<1x1x1xf32>
    %reduce_sum3A_51 = vector.extract %reduce_sum3A_50[0, 0, 0] : f32 from vector<1x1x1xf32>
    %add3A_52 = arith.addf %mul3A_46, %reduce_sum3A_51 : f32
    %add3A_53 = arith.constant 0.000000e+00 : f32
    %add3A_54 = arith.addf %add3A_53, %add3A_52 : f32
    %get3A_55 = arith.constant 1 : index
    %get3A_56 = arith.constant 0 : index
    %get3A_57 = arith.constant 0 : index
    %get3A_58 = vector.load %arg1[%get3A_55, %get3A_56, %get3A_57] : memref<2x256x1024xf32, #tpu.memory_space<vmem>>, vector<1x256x1024xf32>
    %get3A_59 = vector.shape_cast %get3A_58 : vector<1x256x1024xf32> to vector<256x1024xf32>
    %get3A_60 = arith.constant 0 : index
    %get3A_61 = arith.constant 0 : index
    %get3A_62 = vector.load %arg2[%get3A_60, %get3A_61] : memref<1024x256xf32, #tpu.memory_space<vmem>>, vector<1024x256xf32>
    %dot_general3A_63 = arith.constant dense<0.000000e+00> : vector<1024x1024xf32>
    %dot_general3A_64 = tpu.matmul %get3A_62, %get3A_59, %dot_general3A_63 {dimension_numbers = #tpu.dot_dimension_numbers<[1], [0], [0], [1], [0, 0, 1, 1], [], []>, transpose_lhs_hint = false} : vector<1024x256xf32>, vector<256x1024xf32>, vector<1024x1024xf32> -> vector<1024x1024xf32>
    %mul3A_65 = arith.mulf %get3A_59, %get3A_59 : vector<256x1024xf32>
    %reduce_sum3A_66 = arith.constant dense<0.000000e+00> : vector<1024xf32>
    %reduce_sum3A_67 = vector.multi_reduction <add>, %mul3A_65, %reduce_sum3A_66 [0] : vector<256x1024xf32> to vector<1024xf32>
    %broadcast_in_dim3A_68 = vector.shape_cast %reduce_sum3A_67 : vector<1024xf32> to vector<1x1024xf32>
    %add3A_69 = vector.broadcast %broadcast_in_dim3A_68 : vector<1x1024xf32> to vector<1024x1024xf32>
    %add3A_70 = arith.addf %add3A_69, %dot_general3A_64 : vector<1024x1024xf32>
    %get3A_71 = arith.constant 0 : index
    %get3A_72 = arith.constant 0 : index
    %get3A_73 = vector.load %arg3[%get3A_71, %get3A_72] : memref<1024x1xf32, #tpu.memory_space<vmem>>, vector<1024x1xf32>
    %add3A_74 = vector.broadcast %get3A_73 : vector<1024x1xf32> to vector<1024x1024xf32>
    %add3A_75 = arith.addf %add3A_70, %add3A_74 : vector<1024x1024xf32>
    %argmin3A_76 = tpu.reduce_index %add3A_75 {axis = 0 : i32, kind = #tpu.reduction_kind<arg_min>} : vector<1024x1024xf32> -> vector<1024xi32>
    %swap3A_77 = arith.constant 1 : index
    %swap3A_78 = arith.constant 0 : index
    %swap3A_79 = arith.constant 0 : index
    %swap3A_80 = vector.load %arg8[%swap3A_77, %swap3A_78, %swap3A_79] : memref<2x1x1024xi32, #tpu.memory_space<vmem>>, vector<1x1x1024xi32>
    %swap3A_81 = vector.shape_cast %swap3A_80 : vector<1x1x1024xi32> to vector<1024xi32>
    %swap3A_82 = vector.shape_cast %argmin3A_76 : vector<1024xi32> to vector<1x1x1024xi32>
    tpu.vector_store %arg8[%swap3A_77, %swap3A_78, %swap3A_79], %swap3A_82 {strides = array<i32>} : memref<2x1x1024xi32, #tpu.memory_space<vmem>>, vector<1x1x1024xi32>,
    %iota3A_83 = tpu.iota {dimensions = array<i32: 0>} : vector<1024x1024xi32>
    %broadcast_in_dim3A_84 = vector.shape_cast %argmin3A_76 : vector<1024xi32> to vector<1x1024xi32>
    %eq3A_85 = vector.broadcast %broadcast_in_dim3A_84 : vector<1x1024xi32> to vector<1024x1024xi32>
    %eq3A_86 = arith.cmpi eq, %iota3A_83, %eq3A_85 : vector<1024x1024xi32>
    %convert_element_type3A_87 = arith.extui %eq3A_86 : vector<1024x1024xi1> to vector<1024x1024xi32>
    %convert_element_type3A_88 = arith.sitofp %convert_element_type3A_87 : vector<1024x1024xi32> to vector<1024x1024xf32>
    %convert_element_type3A_89 = arith.truncf %convert_element_type3A_88 : vector<1024x1024xf32> to vector<1024x1024xbf16>
    %get3A_90 = arith.constant 0 : index
    %get3A_91 = arith.constant 0 : index
    %get3A_92 = vector.load %arg4[%get3A_90, %get3A_91] : memref<1024x256xbf16, #tpu.memory_space<vmem>>, vector<1024x256xbf16>
    %dot_general3A_93 = arith.constant dense<0.000000e+00> : vector<256x1024xf32>
    %dot_general3A_94 = tpu.matmul %get3A_92, %convert_element_type3A_89, %dot_general3A_93 {dimension_numbers = #tpu.dot_dimension_numbers<[0], [0], [1], [1], [0, 1, 1, 1], [], []>, transpose_lhs_hint = false} : vector<1024x256xbf16>, vector<1024x1024xbf16>, vector<256x1024xf32> -> vector<256x1024xf32>
    %swap3A_95 = arith.constant 1 : index
    %swap3A_96 = arith.constant 0 : index
    %swap3A_97 = arith.constant 0 : index
    %swap3A_98 = vector.load %arg7[%swap3A_95, %swap3A_96, %swap3A_97] : memref<2x256x1024xf32, #tpu.memory_space<vmem>>, vector<1x256x1024xf32>
    %swap3A_99 = vector.shape_cast %swap3A_98 : vector<1x256x1024xf32> to vector<256x1024xf32>
    %swap3A_100 = vector.shape_cast %dot_general3A_94 : vector<256x1024xf32> to vector<1x256x1024xf32>
    tpu.vector_store %arg7[%swap3A_95, %swap3A_96, %swap3A_97], %swap3A_100 {strides = array<i32>} : memref<2x256x1024xf32, #tpu.memory_space<vmem>>, vector<1x256x1024xf32>,
    %get3A_101 = arith.constant 0 : index
    %get3A_102 = arith.constant 0 : index
    %get3A_103 = vector.load %arg5[%get3A_101, %get3A_102] : memref<1x256xf32, #tpu.memory_space<vmem>>, vector<1x256xf32>
    %dot_general3A_104 = arith.constant dense<0.000000e+00> : vector<1x1024xf32>
    %dot_general3A_105 = tpu.matmul %get3A_103, %get3A_59, %dot_general3A_104 {dimension_numbers = #tpu.dot_dimension_numbers<[1], [0], [0], [1], [0, 0, 1, 1], [], []>, transpose_lhs_hint = false} : vector<1x256xf32>, vector<256x1024xf32>, vector<1x1024xf32> -> vector<1x1024xf32>
    %reduce_sum3A_106 = vector.shape_cast %broadcast_in_dim3A_68 : vector<1x1024xf32> to vector<1x1x1024xf32>
    %reduce_sum3A_107 = arith.constant dense<0.000000e+00> : vector<1xf32>
    %reduce_sum3A_108 = vector.multi_reduction <add>, %reduce_sum3A_106, %reduce_sum3A_107 [1, 2] : vector<1x1x1024xf32> to vector<1xf32>
    %reduce_sum3A_109 = vector.shape_cast %reduce_sum3A_108 : vector<1xf32> to vector<1x1x1xf32>
    %reduce_sum3A_110 = vector.extract %reduce_sum3A_109[0, 0, 0] : f32 from vector<1x1x1xf32>
    %mul3A_111 = arith.constant 1.024000e+03 : f32
    %mul3A_112 = arith.mulf %mul3A_111, %reduce_sum3A_110 : f32
    %reduce_sum3A_113 = vector.shape_cast %dot_general3A_105 : vector<1x1024xf32> to vector<1x1x1024xf32>
    %reduce_sum3A_114 = arith.constant dense<0.000000e+00> : vector<1xf32>
    %reduce_sum3A_115 = vector.multi_reduction <add>, %reduce_sum3A_113, %reduce_sum3A_114 [1, 2] : vector<1x1x1024xf32> to vector<1xf32>
    %reduce_sum3A_116 = vector.shape_cast %reduce_sum3A_115 : vector<1xf32> to vector<1x1x1xf32>
    %reduce_sum3A_117 = vector.extract %reduce_sum3A_116[0, 0, 0] : f32 from vector<1x1x1xf32>
    %add3A_118 = arith.addf %mul3A_112, %reduce_sum3A_117 : f32
    %add3A_119 = arith.addf %add3A_54, %add3A_118 : f32
    %eq3A_120 = arith.constant 0 : i32
    %eq3A_121 = arith.cmpi eq, %arg0, %eq3A_120 : i32
    %convert_element_type3A_122 = arith.extui %eq3A_121 : i1 to i32
    %cond3A = arith.constant 0 : i32
    %cond3A_123 = arith.cmpi ne, %convert_element_type3A_122, %cond3A : i32
    scf.if %cond3A_123 {
      %swap3A_133 = arith.constant 0 : index
      %swap3A_134 = arith.constant 0 : index
      %swap3A_135 = memref.load %arg10[%swap3A_133, %swap3A_134] : memref<1x1xf32, #tpu.memory_space<smem>>
      memref.store %add3A_119, %arg10[%swap3A_133, %swap3A_134] : memref<1x1xf32, #tpu.memory_space<smem>>
    } else {
    }
    %ne3A = arith.constant 0 : i32
    %ne3A_124 = arith.cmpi ne, %arg0, %ne3A : i32
    %convert_element_type3A_125 = arith.extui %ne3A_124 : i1 to i32
    %cond3A_126 = arith.constant 0 : i32
    %cond3A_127 = arith.cmpi ne, %convert_element_type3A_125, %cond3A_126 : i32
    scf.if %cond3A_127 {
      %get3A_133 = arith.constant 0 : index
      %get3A_134 = arith.constant 0 : index
      %get3A_135 = memref.load %arg10[%get3A_133, %get3A_134] : memref<1x1xf32, #tpu.memory_space<smem>>
      %add3A_136 = arith.addf %get3A_135, %add3A_119 : f32
      %swap3A_137 = arith.constant 0 : index
      %swap3A_138 = arith.constant 0 : index
      %swap3A_139 = memref.load %arg10[%swap3A_137, %swap3A_138] : memref<1x1xf32, #tpu.memory_space<smem>>
      memref.store %add3A_136, %arg10[%swap3A_137, %swap3A_138] : memref<1x1xf32, #tpu.memory_space<smem>>
    } else {
    }
    %eq3A_128 = arith.constant 7 : i32
    %eq3A_129 = arith.cmpi eq, %arg0, %eq3A_128 : i32
    %convert_element_type3A_130 = arith.extui %eq3A_129 : i1 to i32
    %cond3A_131 = arith.constant 0 : i32
    %cond3A_132 = arith.cmpi ne, %convert_element_type3A_130, %cond3A_131 : i32
    scf.if %cond3A_132 {
      %get3A_133 = arith.constant 0 : index
      %get3A_134 = arith.constant 0 : index
      %get3A_135 = memref.load %arg10[%get3A_133, %get3A_134] : memref<1x1xf32, #tpu.memory_space<smem>>
      %get3A_136 = arith.constant 0 : index
      %get3A_137 = arith.constant 0 : index
      %get3A_138 = memref.load %arg6[%get3A_136, %get3A_137] : memref<1x1xf32, #tpu.memory_space<smem>>
      %mul3A_139 = arith.constant 1.638400e+04 : f32
      %mul3A_140 = arith.mulf %mul3A_139, %get3A_138 : f32
      %add3A_141 = arith.addf %get3A_135, %mul3A_140 : f32
      %mul3A_142 = arith.constant 1.638400e+04 : f32
      %mul3A_143 = arith.constant 1.024000e+03 : f32
      %mul3A_144 = arith.mulf %mul3A_142, %mul3A_143 : f32
      %div3A = arith.divf %add3A_141, %mul3A_144 : f32
      %swap3A_145 = arith.constant 0 : index
      %swap3A_146 = arith.constant 0 : index
      %swap3A_147 = memref.load %arg9[%swap3A_145, %swap3A_146] : memref<1x1xf32, #tpu.memory_space<smem>>
      memref.store %div3A, %arg9[%swap3A_145, %swap3A_146] : memref<1x1xf32, #tpu.memory_space<smem>>
    } else {
    }
    return
  }
  func.func @transform_0(%arg0: i32) -> (i32, i32, i32) {
    %c0_i32 = arith.constant 0 : i32
    %c0_i32_0 = arith.constant 0 : i32
    %c0_i32_1 = arith.constant 0 : i32
    return %arg0, %c0_i32, %c0_i32_0 : i32, i32, i32
  }
  func.func @transform_1(%arg0: i32) -> (i32, i32) {
    %c0_i32 = arith.constant 0 : i32
    %c0_i32_0 = arith.constant 0 : i32
    %c0_i32_1 = arith.constant 0 : i32
    return %c0_i32, %c0_i32_0 : i32, i32
  }
  func.func @transform_2(%arg0: i32) -> (i32, i32) {
    %c0_i32 = arith.constant 0 : i32
    %c0_i32_0 = arith.constant 0 : i32
    %c0_i32_1 = arith.constant 0 : i32
    return %c0_i32, %c0_i32_0 : i32, i32
  }
  func.func @transform_3(%arg0: i32) -> (i32, i32) {
    %c0_i32 = arith.constant 0 : i32
    %c0_i32_0 = arith.constant 0 : i32
    %c0_i32_1 = arith.constant 0 : i32
    return %c0_i32, %c0_i32_0 : i32, i32
  }
  func.func @transform_4(%arg0: i32) -> (i32, i32) {
    %c0_i32 = arith.constant 0 : i32
    %c0_i32_0 = arith.constant 0 : i32
    %c0_i32_1 = arith.constant 0 : i32
    return %c0_i32, %c0_i32_0 : i32, i32
  }
  func.func @transform_5(%arg0: i32) -> (i32, i32) {
    %c0_i32 = arith.constant 0 : i32
    %c0_i32_0 = arith.constant 0 : i32
    %c0_i32_1 = arith.constant 0 : i32
    return %c0_i32, %c0_i32_0 : i32, i32
  }
  func.func @transform_6(%arg0: i32) -> (i32, i32, i32) {
    %c0_i32 = arith.constant 0 : i32
    %c0_i32_0 = arith.constant 0 : i32
    %c0_i32_1 = arith.constant 0 : i32
    return %arg0, %c0_i32, %c0_i32_0 : i32, i32, i32
  }
  func.func @transform_7(%arg0: i32) -> (i32, i32, i32) {
    %c0_i32 = arith.constant 0 : i32
    %c0_i32_0 = arith.constant 0 : i32
    %c0_i32_1 = arith.constant 0 : i32
    return %arg0, %c0_i32, %c0_i32_0 : i32, i32, i32
  }
  func.func @transform_8(%arg0: i32) -> (i32, i32) {
    %c0_i32 = arith.constant 0 : i32
    %c0_i32_0 = arith.constant 0 : i32
    %c0_i32_1 = arith.constant 0 : i32
    return %c0_i32, %c0_i32_0 : i32, i32
  }
}

</mosaic_0001>

<sc_bundles>
// kernel: kernel.4.cloned.1.call-start
scs
__scs_entry_jumppad:
0x0: {  	(pc) =	sbr.rel $0x88, $3  }
0x1: {  	(tag) =	ssettag $0x0;
	lr =	simm.s32 $0x1  }
0x2: {  	[smem:$0x3F9F] =	sst lr;
	_ =	strace $0xD0000000  }
0x3: {  	_ = 	snop  }
0x4: {  	_ = 	snop  }
0x5: {  	_ = 	snop  }
0x6: {  	_ = 	snop  }
0x7: {  	_ = 	snop  }
__scs_overlays_trampoline_lowered:
0x8: {  	[smem:$0x3FAE] =	sst s0  }
0x9: {  	[smem:$0x3FAF] =	sst s1  }
0xa: {  	[smem:$0x3FB0] =	sst s2  }
0xb: {  	[smem:$0x3FB1] =	sst s3  }
0xc: {  	[smem:$0x3FB2] =	sst s4  }
0xd: {  	[smem:$0x3FB3] =	sst s5  }
0xe: {  	[smem:$0x3FB4] =	sst s6  }
0xf: {  	[smem:$0x3FB5] =	sst s7  }
0x10: {  	[smem:$0x3FB6] =	sst s8  }
0x11: {  	[smem:$0x3FB7] =	sst s9;
	s0 =	simm.s32 @!p0 $0x0  }
0x12: {  	s1 =	sld [smem:$0x3F9D];
	s0 =	simm.s32 @p0 $0x1  }
0x13: {  	[smem:$0x3FB8] =	sst s0;
	s0 =	simm.s32 @!p1 $0x0  }
0x14: {  	s2 =	sld [smem:$0x3F9C];
	s0 =	simm.s32 @p1 $0x1  }
0x15: {  	[smem:$0x3FB9] =	sst s0;
	s0 =	simm.s32 @!p2 $0x0  }
0x16: {  	s3 =	sld [smem:$0x3FDB];
	s0 =	simm.s32 @p2 $0x1  }
0x17: {  	s4 =	simm.s32 $0x1BF5;
	[smem:$0x3FBB] =	sst s0  }
0x18: {  	s0 =	sld [smem:$0x3F9E];
	_ =	swait.ge [sflag:s4], $0x0  }
0x19: {  	s7 =	sld [smem:$0x3F9F]  }
0x1a: {  	s8 =	sadd.s32 $0xFFFFE003, lr  }
0x1b: {  	s9 =	sadd.s32 $0xFFFFFEF7, lr;
	s5 =	simm.s32 $0xFFFFFFFF;
	p2 =	slt.u32 s8, $0xFFFFF086  }
0x1c: {  	p1 =	slt.u32 s9, $0xF7A;
	s5 =	simm.s32 @!p2 $0x0  }
0x1d: {  	s5 =	simm.s32 @p1 $0x1;
	p0 =	seq.s32 s7, s2  }
0x1e: {  	s7 =	smul.u32 @!p0 $0xF7A, s2;
	p2 =	seq.s32 @!p0 s5, $0x0  }
0x1f: {  	s9 =	smul.u32 $0xF7A, s1;
	s8 =	simm.s32 @!p0 $0x1BF5;
	p2 =	por !p2, p0  }
0x20: {  	[sflag:s8] =	ssyncset.s32 @!p0 $0xFFFFF086;
	s6 =	sadd.s32 @!p0 s3, s7;
	s7 =	simm.s32 @!p0 $0x108  }
0x21: {  	s3 =	sadd.s32 s3, s9;
	s6 =	sadd.s32 @!p0 $0x88, s6;
	s7 =	simm.s32 @p2 $0x1082  }
0x22: {  	[simem:s7], [sflag:s8] =	dma.local @!p0 [hbm:s6], $0xF7A  }
0x23: {  	s9 =	sor.u32 $0xD0000000, s2;
	s6 =	simm.s32 $0x108;
	_ =	swait.ge @!p0 [sflag:s8], $0x0  }
0x24: {  	s3 =	sadd.s32 $0x88, s3;
	s6 =	simm.s32 @!p1 $0x1082;
	[sflag:s4] =	ssyncset.s32 $0xFFFFF086  }
0x25: {  	[simem:s6], [sflag:s4] =	dma.local [hbm:s3], $0xF7A  }
0x26: {  	[smem:$0x3F9F] =	sst s1;
	(tag) =	ssettag s2;
	_ =	strace s9  }
0x27: {  	s1 =	sld [smem:$0x3FAF]  }
0x28: {  	s2 =	sld [smem:$0x3FB0]  }
0x29: {  	s4 =	sld [smem:$0x3FB2]  }
0x2a: {  	p0 =	seq.s32 s5, $0x0;
	s5 =	sld [smem:$0x3FB3]  }
0x2b: {  	s6 =	sld [smem:$0x3FB4]  }
0x2c: {  	s7 =	sld [smem:$0x3FB5]  }
0x2d: {  	s3 =	simm.s32 $0x108;
	s8 =	sld [smem:$0x3FB6]  }
0x2e: {  	s3 =	simm.s32 @!p0 $0x1082;
	s9 =	sld [smem:$0x3FB7]  }
0x2f: {  	lr =	sadd.s32 s0, s3;
	s0 =	sld [smem:$0x3FAE]  }
0x30: {  	s3 =	sld [smem:$0x3FB1]  }
0x31: {  	[smem:$0x3FBA] =	sst s10  }
0x32: {  	s10 =	sld [smem:$0x3FB8];
	_ =	sdelay $0x3  }
0x33: {  	p0 =	seq.s32 s10, $0x1;
	s10 =	sld [smem:$0x3FBA];
	_ =	sdelay $0x3  }
0x34: {  	[smem:$0x3FBA] =	sst s10  }
0x35: {  	s10 =	sld [smem:$0x3FB9];
	_ =	sdelay $0x3  }
0x36: {  	p1 =	seq.s32 s10, $0x1;
	s10 =	sld [smem:$0x3FBA];
	_ =	sdelay $0x3  }
0x37: {  	[smem:$0x3FBA] =	sst s10  }
0x38: {  	s10 =	sld [smem:$0x3FBB]  }
0x39: {  	_ = 	snop;
	(pc) =	sbr.ind lr, $3  }
0x3a: {  	_ = 	snop  }
0x3b: {  	_ = 	snop  }
0x3c: {  	p2 =	seq.s32 s10, $0x1;
	s10 =	sld [smem:$0x3FBA]  }
0x3d: {  	_ =	shalt  }
0x3e: {  	_ =	shalt  }
0x3f: {  	_ =	shalt  }
0x40: {  	_ =	shalt  }
0x41: {  	_ =	shalt  }
0x42: {  	_ =	shalt  }
0x43: {  	_ =	shalt  }
0x44: {  	_ =	shalt  }
0x45: {  	_ =	shalt  }
0x46: {  	_ =	shalt  }
0x47: {  	_ =	shalt  }
0x48: {  	_ =	shalt  }
0x49: {  	_ =	shalt  }
0x4a: {  	_ =	shalt  }
0x4b: {  	_ =	shalt  }
0x4c: {  	_ =	shalt  }
0x4d: {  	_ =	shalt  }
0x4e: {  	_ =	shalt  }
0x4f: {  	_ =	shalt  }
0x50: {  	_ =	shalt  }
0x51: {  	_ =	shalt  }
0x52: {  	_ =	shalt  }
0x53: {  	_ =	shalt  }
0x54: {  	_ =	shalt  }
0x55: {  	_ =	shalt  }
0x56: {  	_ =	shalt  }
0x57: {  	_ =	shalt  }
0x58: {  	_ =	shalt  }
0x59: {  	_ =	shalt  }
0x5a: {  	_ =	shalt  }
0x5b: {  	_ =	shalt  }
0x5c: {  	_ =	shalt  }
0x5d: {  	_ =	shalt  }
0x5e: {  	_ =	shalt  }
0x5f: {  	_ =	shalt  }
0x60: {  	_ =	shalt  }
0x61: {  	_ =	shalt  }
0x62: {  	_ =	shalt  }
0x63: {  	_ =	shalt  }
0x64: {  	_ =	shalt  }
0x65: {  	_ =	shalt  }
0x66: {  	_ =	shalt  }
0x67: {  	_ =	shalt  }
0x68: {  	_ =	shalt  }
0x69: {  	_ =	shalt  }
0x6a: {  	_ =	shalt  }
0x6b: {  	_ =	shalt  }
0x6c: {  	_ =	shalt  }
0x6d: {  	_ =	shalt  }
0x6e: {  	_ =	shalt  }
0x6f: {  	_ =	shalt  }
0x70: {  	_ =	shalt  }
0x71: {  	_ =	shalt  }
0x72: {  	_ =	shalt  }
0x73: {  	_ =	shalt  }
0x74: {  	_ =	shalt  }
0x75: {  	_ =	shalt  }
0x76: {  	_ =	shalt  }
0x77: {  	_ =	shalt  }
0x78: {  	_ =	shalt  }
0x79: {  	_ =	shalt  }
0x7a: {  	_ =	shalt  }
0x7b: {  	_ =	shalt  }
0x7c: {  	_ =	shalt  }
0x7d: {  	_ =	shalt  }
0x7e: {  	_ =	shalt  }
0x7f: {  	_ =	shalt  }
0x80: {  	_ =	shalt  }
0x81: {  	_ =	shalt  }
0x82: {  	_ =	shalt  }
0x83: {  	_ =	shalt  }
0x84: {  	_ =	shalt  }
0x85: {  	_ =	shalt  }
0x86: {  	_ =	shalt  }
0x87: {  	_ =	shalt  }
.Lfunc_end0:
.L_simem_size_0:
called_computation_lowered:
.L_overlay_start_0:
0x88: {  	s2 =	sld [smem:$0x3FD9]  }
0x89: {  	s3 =	sld [smem:$0x3FFE];
	_ =	sdelay $0x1  }
0x8a: {  	s1 =	srdreg.scid  }
0x8b: {  	s0 =	sand.u32 $0x1, s1  }
0x8c: {  	s16 =	sshll.u32 s0, $0xA;
	s2 =	sadd.s32 s3, s2  }
0x8d: {  	s2 =	sadd.s32 s2, s16  }
0x8e: {  	[smem:$0x3FC6] =	sst s2  }
0x8f: {  	_ = 	snop  }
0x90: {  	(tm) =	ssettm $0x1  }
0x91: {  	s17 =	sld [smem:$0x3FFB];
	_ =	sdelay $0x3  }
0x92: {  	_ =	strace s17  }
0x93: {  	s2 =	sld [smem:$0x3FFC];
	_ =	sdelay $0x3  }
0x94: {  	_ =	strace s2  }
0x95: {  	s2 =	sld [smem:$0x3FFD];
	_ =	sdelay $0x3  }
0x96: {  	_ =	strace s2  }
0x97: {  	_ =	strace $0x8FFFFFFF  }
0x98: {  	s18 =	sld [smem:$0x3FDB];
	_ =	sdelay $0x1  }
0x99: {  	s19 =	simm.s32 $_scs_section_size  }
0x9a: {  	s4 =	simm.s32 $_size__tile_overlayer_lowered;
	s5 =	simm.s32 $_tile_overlayer_lowered  }
0x9b: {  	s22 =	simm.s32 $0x1BFF;
	s21 =	sshll.u32 s5, $0x1;
	s2 =	sadd.s32 s19, s18  }
0x9c: {  	s6 =	simm.s32 $0x0;
	s20 =	sshll.u32 s4, $0x1;
	s4 =	sadd.s32 s21, s2  }
0x9d: {  	[timem:s6], [sflag:s22] =	dma.local [hbm:s4], s20  }
0x9e: {  	_ =	swait.ge [sflag:s22], s20  }
0x9f: {  	s3 =	ssub.s32 $0x0, s20;
	[sflag:s22] =	ssyncset.done $0x0  }
0xa0: {  	[sflag:s22] =	ssyncadd.s32 s3;
	_ =	sdelay $0x1  }
0xa1: {  	s23 =	simm.s32 $0x1B8B  }
0xa2: {  	_ =	swait.ge [sflag:s23], $0x1  }
0xa3: {  	[sflag:s23] =	ssyncset.done $0x0  }
0xa4: {  	s25 =	simm.s32 $0x1B8E;
	s24 =	sld [smem:$0x3FFE];
	[sflag:s23] =	ssyncadd.s32 $0xFFFFFFFF  }
0xa5: {  	s26 =	simm.s32 $execute0_lowered;
	[smem:$0x3FD2] =	sst s25  }
0xa6: {  	s4 =	sshll.u32 s26, $0x1;
	_ =	strace $0x80000046;
	[dreg:$0x1] =	wrdreg $0xFFFFFFFF  }
0xa7: {  	s28 =	simm.s32 $_size_execute0_lowered;
	s2 =	sadd.s32 s2, s4;
	[dreg:$0x0] =	wrdreg $0x0  }
0xa8: {  	s4 =	sshll.u32 s28, $0x1;
	[dreg:$0x2] =	wrdreg s2  }
0xa9: {  	[dreg:$0x3] =	wrdreg s4  }
0xaa: {  	[dreg:$0x4] =	wrdreg $0xC0  }
0xab: {  	_ =	task [dreg:s6], $0x5FFFF  }
0xac: {  	[dreg:$0x1] =	wrdreg $0xFFFFFFFF  }
0xad: {  	[dreg:$0x0] =	wrdreg $0x60  }
0xae: {  	[dreg:$0x2] =	wrdreg s24  }
0xaf: {  	[dreg:$0x3] =	wrdreg $0x8000  }
0xb0: {  	[dreg:$0x4] =	wrdreg $0x9  }
0xb1: {  	_ =	task.clear_ibuf [dreg:s6], $0x5FFFF;
	_ =	strace $0x90000046  }
0xb2: {  	s29 =	simm.s32 $0x9;
	_ =	strace $0x80000048  }
0xb3: {  	_ =	swait.ge [sflag:s29], $0x1  }
0xb4: {  	[sflag:s29] =	ssyncadd.s32 $0xFFFFFFFF  }
0xb5: {  	_ =	strace $0x90000048  }
0xb6: {  	_ =	sfence  }
0xb7: {  	s30 =	sld [smem:$0x0];
	_ =	sdelay $0x2  }
0xb8: {  	s31 =	sshll.u32 s1, $0xD;
	s1 =	sshrl.u32 s1, $0x2  }
0xb9: {  	s3 =	sand.u32 $0x4000, s31;
	s1 =	sadd.s32 s1, s30  }
0xba: {  	s0 =	sor.u32 s3, s0;
	s1 =	sshll.u32 s1, $0x11  }
0xbb: {  	s0 =	sor.u32 s1, s0  }
0xbc: {  	s0 =	sadd.s32 $0x8F2B, s0  }
0xbd: {  	[sflag:s0] =	ssyncadd.remote.s32 $0x1  }
0xbe: {  	_ =	sfence.sel $0xFFFF  }
0xbf: {  	[dreg:$0x0] =	wrdreg $0xFFFFFFFF;
	(pc) =	sbr.abs _section_cstart, $3  }
0xc0: {  	[dreg:$0x1] =	wrdreg $0xFFFFFFFF  }
0xc1: {  	_ =	task.clear_ibuf [dreg:s6], $0x2FFFF;
	_ =	strace $0x9FFFFFFF  }
0xc2: {  	(tm) =	ssettm $0x7FFFFFFF  }
0xc3: {  	_ =	shalt  }
tec
execute0_lowered:
.L_overlay_start_1:
0x0: {  	(tag) =	ssettag $0x1  }
0x1: {  	s3 =	rddreg [dreg:$0x0]  }
0x2: {  	s1 =	rddreg [dreg:$0x1]  }
0x3: {  	s4 =	srdreg.scid;
	s0 =	rddreg [dreg:$0x2];
	s2 =	simm.s32 $0x0  }
0x4: {  	s6 =	stileid.u32;
	s4 =	sand.u32 $0x1, s4;
	[smem:$0x7FF] =	sst s2  }
0x5: {  	s9 =	sshll.u32 s6, $0x7;
	p0 =	sne.s32 s6, $0x0;
	s6 =	simm.s32 $0x400  }
.Ltmp0:
0x6: {  	s5 =	sshll.u32 s4, $0x4;
	s7 =	ssub.s32 $0x2, s4;
	(pc) =	sbr.rel .LBB2_1-.Ltmp0, $4  }
0x7: {  	_ =	strace $0x80000047;
	s4 =	sshll.u32 s4, $0x6;
	s8 =	sshrl.u32 s7, $0x1  }
0x8: {  	s5 =	sadd.s32 s5, s3;
	s3 =	sadd.s32 s3, s4;
	s7 =	ssub.s32 s7, s8  }
0x9: {  	s3 =	sadd.s32 s9, s3;
	s4 =	sadd.s32 $0x800, s5;
	s8 =	simm.s32 $0x200  }
0xa: {  	v0 =	vimm.f32 $1.000000000e+00;
	v1 =	vimm.f32 $0.0e+00;
	s9 =	simm.s32 $0x0;
	s5 =	smax.u32 s7, $0x1;
	s7 =	simm.s32 $0x1  }
.LBB2_5:
0xb: {  	[bflag:$0x0] =	sbarrier.arrive $0xFFFF  }
0xc: {  	[tilespmem:s2], [sflag:$0x1] =	stream.linear.gather [hbm4b:s3+s2], $0x200, $0x38;
	[tilespmem:$0x840] =	vst v63  }
0xd: {  	_ =	swait.ge [sflag:s7], $0x200  }
0xe: {  	[sflag:s7] =	ssyncset.done $0x0  }
0xf: {  	[sflag:s7] =	ssyncadd.s32 $0xFFFFFE00  }
0x10: {  	[spmem:s1] =	stream.indirect.scatter.add.f32 [tilespmem:s8], [sflag:$0x1], $0x1, s2, s8, $0xb8;
	[tilespmem:$0x840] =	vst v63  }
0x11: {  	_ =	swait.ge [sflag:s7], $0x200  }
0x12: {  	[sflag:s7] =	ssyncset.done $0x0  }
0x13: {  	[sflag:s7] =	ssyncadd.s32 $0xFFFFFE00  }
0x14: {  	s10 =	simm.s32 @!p0 $0x400;
	s11 =	simm.s32 @!p0 $0x1;
	[bflag:$0x0] =	sbarrier.arrive $0xFFFF  }
0x15: {  	[tilespmem:s10], [sflag:$0x1] =	stream.linear.gather @!p0 [spmem:s1], $0x400, $0x38;
	[tilespmem:$0x840] =	vst v63  }
0x16: {  	s9 =	sadd.s32 $0x1, s9;
	_ =	swait.ge @!p0 [sflag:s11], $0x400  }
0x17: {  	s12 =	simm.s32 @!p0 $0x80;
	p1 =	sne.s32 s9, s5;
	[sflag:s11] =	ssyncset.done @!p0 $0x0  }
.Ltmp1:
0x18: {  	s13 =	simm.s32 @!p0 $0x100;
	[sflag:s11] =	ssyncadd.s32 @!p0 $0xFFFFFC00;
	(pc) =	sbr.rel @!p1 .LBB2_6-.Ltmp1, $4  }
0x19: {  	[hbm4b:s4+s12] =	stream.strided.scatter @!p0 [tilespmem:s10], [sflag:$0x1], $0x400, s13, s12, $0x38;
	[tilespmem:$0x840] =	vst v63  }
0x1a: {  	_ =	swait.ge @!p0 [sflag:s11], $0x400  }
0x1b: {  	[sflag:s11] =	ssyncset.done @!p0 $0x0  }
0x1c: {  	[sflag:s11] =	ssyncadd.s32 @!p0 $0xFFFFFC00  }
.LBB2_1:
0x1d: {  	[tilespmem:$0x200] =	vst v0  }
0x1e: {  	[tilespmem:$0x210] =	vst v0  }
0x1f: {  	[tilespmem:$0x220] =	vst v0  }
0x20: {  	[tilespmem:$0x230] =	vst v0  }
0x21: {  	[tilespmem:$0x240] =	vst v0  }
0x22: {  	[tilespmem:$0x250] =	vst v0  }
0x23: {  	[tilespmem:$0x260] =	vst v0  }
0x24: {  	[tilespmem:$0x270] =	vst v0  }
0x25: {  	[tilespmem:$0x280] =	vst v0  }
0x26: {  	[tilespmem:$0x290] =	vst v0  }
0x27: {  	[tilespmem:$0x2A0] =	vst v0  }
0x28: {  	[tilespmem:$0x2B0] =	vst v0  }
0x29: {  	[tilespmem:$0x2C0] =	vst v0  }
0x2a: {  	[tilespmem:$0x2D0] =	vst v0  }
0x2b: {  	[tilespmem:$0x2E0] =	vst v0  }
0x2c: {  	[tilespmem:$0x2F0] =	vst v0  }
0x2d: {  	[tilespmem:$0x300] =	vst v0  }
0x2e: {  	[tilespmem:$0x310] =	vst v0  }
0x2f: {  	[tilespmem:$0x320] =	vst v0  }
0x30: {  	[tilespmem:$0x330] =	vst v0  }
0x31: {  	[tilespmem:$0x340] =	vst v0  }
0x32: {  	[tilespmem:$0x350] =	vst v0  }
0x33: {  	[tilespmem:$0x360] =	vst v0  }
0x34: {  	[tilespmem:$0x370] =	vst v0  }
0x35: {  	[tilespmem:$0x380] =	vst v0  }
0x36: {  	[tilespmem:$0x390] =	vst v0  }
0x37: {  	[tilespmem:$0x3A0] =	vst v0  }
.Ltmp2:
0x38: {  	[tilespmem:$0x3B0] =	vst v0;
	(pc) =	sbr.rel @p0 .LBB2_5-.Ltmp2, $4  }
0x39: {  	[tilespmem:$0x3C0] =	vst v0  }
0x3a: {  	[tilespmem:$0x3D0] =	vst v0  }
0x3b: {  	[tilespmem:$0x3E0] =	vst v0  }
0x3c: {  	[tilespmem:$0x3F0] =	vst v0  }
0x3d: {  	s10 =	simm.s32 $0x40;
	s11 =	simm.s32 $0x0  }
.LBB2_3:
0x3e: {  	p1 =	sne.s32 s10, $0xFC0;
	[tilespmem:s11+$0x400] =	vst v1;
	s11 =	smov.u32 s10;
	s10 =	sadd.s32 $0x40, s10  }
.Ltmp3:
0x3f: {  	(pc) =	sbr.rel @p1 .LBB2_3-.Ltmp3, $2  }
0x40: {  	_ =	sdelay $0x2  }
0x41: {  	s11 =	sshra.s32 s11, $0x2  }
.Ltmp4:
0x42: {  	[tilespmem:s11+$0x400] =	vst v1;
	(pc) =	sbr.rel .LBB2_5-.Ltmp4, $4  }
0x43: {  	[spmem:s1] =	stream.linear.scatter [tilespmem:s6], [sflag:$0x1], $0x400, $0x38;
	[tilespmem:$0x840] =	vst v63  }
0x44: {  	_ =	swait.ge [sflag:s7], $0x400  }
0x45: {  	[sflag:s7] =	ssyncset.done $0x0  }
0x46: {  	[sflag:s7] =	ssyncadd.s32 $0xFFFFFC00  }
.LBB2_6:
0x47: {  	_ =	sfence.sel $0x180000  }
0x48: {  	[bflag:$0x0] =	sbarrier.arrive $0xFFFF  }
0x49: {  	_ =	strace $0x90000047  }
0x4a: {  	s0 =	sadd.s32 @!p0 $0x100000, s0;
	[bflag:$0x2] =	sbarrier.arrive $0xFFFF  }
0x4b: {  	[sflag:s0] =	ssyncadd.tile.s32 @!p0 $0x1;
	_ =	shalt  }
.Lfunc_end2:
_tile_overlayer_lowered:
.L_overlay_start_2:
0x4c: {  	(tag) =	ssettag $0x2  }
0x4d: {  	s0 =	rddreg [dreg:$0x0];
	s2 =	stileid.u32  }
0x4e: {  	s1 =	rddreg [dreg:$0x1];
	p0 =	sne.s32 s2, $0x0  }
0x4f: {  	s3 =	rddreg [dreg:$0x2];
	[bflag:$0x3] =	sbarrier.arrive $0xFFFF;
	s2 =	simm.s32 @!p0 $0x1C01  }
0x50: {  	[timem:s3], [sflag:s2] =	dma.local @!p0 [hbm:s0], s1  }
0x51: {  	s0 =	simm.s32 @!p0 $0x1  }
0x52: {  	_ =	swait.ge @!p0 [sflag:s0], s1  }
0x53: {  	s1 =	ssub.s32 @!p0 $0x0, s1;
	[sflag:s0] =	ssyncset.done @!p0 $0x0  }
0x54: {  	[sflag:s0] =	ssyncadd.s32 @!p0 s1  }
0x55: {  	[bflag:$0x3] =	sbarrier.arrive $0xFFFF  }
0x56: {  	_ =	shalt  }

</sc_bundles>
